<compile_context>
chip_gen: v7x
topology: tpu7x:2x2x1
jax: 0.10.2.dev20260603
libtpu: 0.0.44.dev20260713+nightly
codegen_flags: <defaults>
</compile_context>

<pallas_src>
import functools

import jax
import jax.numpy as jnp
from jax import lax
from jax.experimental import pallas as pl
from jax.experimental.pallas import tpu as pltpu
from jax.experimental.pallas import tpu_sc as plsc

TEMPERATURE = 0.05
MAX_SCALE = 1.0 - 0.001
B = 16384
GB = 3 * B
NW = 32
B_PER_W = GB // NW
CHUNK = 1536
NCHUNK = B_PER_W // CHUNK


def _sc_gather(ids, table2):
    mesh = plsc.VectorSubcoreMesh(core_axis_name="c", subcore_axis_name="s")

    @functools.partial(
        pl.kernel,
        mesh=mesh,
        out_type=[
            jax.ShapeDtypeStruct((GB,), jnp.float32),
            jax.ShapeDtypeStruct((GB,), jnp.float32),
        ],
        scratch_types=[
            pltpu.VMEM((B_PER_W,), jnp.int32),
            pltpu.VMEM((B_PER_W,), jnp.float32),
            pltpu.VMEM((B_PER_W,), jnp.float32),
            pltpu.SemaphoreType.DMA,
        ],
        compiler_params=pltpu.CompilerParams(
            needs_layout_passes=False,
            use_tc_tiling_on_sc=False,
        ),
    )
    def gather_kernel(ids_hbm, table_hbm, outx_hbm, outy_hbm,
                      i_v, x_v, y_v, sem):
        wid = lax.axis_index("s") * 2 + lax.axis_index("c")
        base = wid * B_PER_W
        pltpu.sync_copy(ids_hbm.at[pl.ds(base, B_PER_W)], i_v)
        copies = []
        for j in range(NCHUNK):
            sl = pl.ds(j * CHUNK, CHUNK)
            copies.append(pltpu.async_copy(
                table_hbm.at[0].at[i_v.at[sl]], x_v.at[sl], sem))
            copies.append(pltpu.async_copy(
                table_hbm.at[1].at[i_v.at[sl]], y_v.at[sl], sem))
        for c in copies:
            c.wait()
        pltpu.sync_copy(x_v, outx_hbm.at[pl.ds(base, B_PER_W)])
        pltpu.sync_copy(y_v, outy_hbm.at[pl.ds(base, B_PER_W)])

    return gather_kernel(ids, table2)


def _loss_body(x_ref, y_ref, s_ref, scale_ref, o_ref):
    s = jnp.clip(scale_ref[0, 0], 0.01, MAX_SCALE)

    def norm(ex, ey):
        n = jnp.sqrt(ex * ex + ey * ey)
        f = s / jnp.maximum(n, 1e-12)
        return ex * f, ey * f

    x1, y1 = norm(x_ref[0], y_ref[0])
    x2, y2 = norm(x_ref[1], y_ref[1])
    x3, y3 = norm(x_ref[2], y_ref[2])

    def hyp_lca(px, py, qx, qy):
        n1 = px * px + py * py
        rx = px / n1
        ry = py / n1
        r2 = rx * rx + ry * ry - 1.0
        ux = qx - rx
        uy = qy - ry
        t = r2 / (ux * ux + uy * uy)
        ax = t * ux + rx
        ay = t * uy + ry
        c = 2.0 * (px * ax + py * ay) / (ax * ax + ay * ay)
        ox = c * ax - px
        oy = c * ay - py
        vx = ox - rx
        vy = oy - ry
        t2 = r2 / (vx * vx + vy * vy)
        wx = t2 * vx + rx
        wy = t2 * vy + ry
        nn = wx * wx + wy * wy
        d = 1.0 + jnp.sqrt(1.0 - nn)
        pn = jnp.sqrt(nn) / d
        return jnp.log((1.0 + pn) / (1.0 - pn))

    inv_t = 1.0 / TEMPERATURE
    l12 = hyp_lca(x1, y1, x2, y2) * inv_t
    l13 = hyp_lca(x1, y1, x3, y3) * inv_t
    l23 = hyp_lca(x2, y2, x3, y3) * inv_t
    m = jnp.maximum(jnp.maximum(l12, l13), l23)
    w1 = jnp.exp(l12 - m)
    w2 = jnp.exp(l13 - m)
    w3 = jnp.exp(l23 - m)
    z = w1 + w2 + w3
    s1 = s_ref[0]
    s2 = s_ref[1]
    s3 = s_ref[2]
    w_ord = (s1 * w1 + s2 * w2 + s3 * w3) / z
    total = (s1 + s2 + s3) - w_ord
    o_ref[0, 0] = jnp.sum(total) * (1.0 / B)


def _tc_loss(xc, yc, sims, scale):
    return pl.pallas_call(
        _loss_body,
        out_shape=jax.ShapeDtypeStruct((1, 1), jnp.float32),
        in_specs=[
            pl.BlockSpec(memory_space=pltpu.VMEM),
            pl.BlockSpec(memory_space=pltpu.VMEM),
            pl.BlockSpec(memory_space=pltpu.VMEM),
            pl.BlockSpec(memory_space=pltpu.SMEM),
        ],
        out_specs=pl.BlockSpec(memory_space=pltpu.SMEM),
    )(xc, yc, sims, scale)


def kernel(triple_ids, similarities, embeddings, scale):
    ids = jnp.transpose(triple_ids.astype(jnp.int32), (1, 0)).reshape(GB)
    table2 = jnp.transpose(embeddings.astype(jnp.float32))
    gx, gy = _sc_gather(ids, table2)
    xc = gx.reshape(3, 128, 128)
    yc = gy.reshape(3, 128, 128)
    sims = jnp.transpose(similarities.astype(jnp.float32), (1, 0)).reshape(3, 128, 128)
    out = _tc_loss(xc, yc, sims, scale.astype(jnp.float32).reshape(1, 1))
    return out[0, 0]

# --- scband reference (transcript-rebuilt; emitter-appended) ---
"""Pipeline reference for scband-hyp-hc-18640158064991 (READ-ONLY COPY).

The authoritative reference and input builder live on the scoring server;
editing this copy changes nothing except your own understanding.
"""

import jax, jax.numpy as jnp
import numpy as np

N_NODES = 1000000
RANK = 2
TEMPERATURE = 0.05
INIT_SIZE = 0.001
MAX_SCALE = 1.0 - 0.001
B = 16384


def _normalize(x, eps=1e-12):
    n = jnp.sqrt(jnp.sum(x * x, axis=-1, keepdims=True))
    return x / jnp.maximum(n, eps)


def normalize_embeddings(e, scale):
    s = jnp.clip(scale, 0.01, MAX_SCALE)
    return _normalize(e) * s


def reflection_center(mu):
    return mu / jnp.sum(mu * mu, axis=-1, keepdims=True)


def isometric_transform(a, x):
    r2 = jnp.sum(a * a, axis=-1, keepdims=True) - 1.0
    u = x - a
    return r2 / jnp.sum(u * u, axis=-1, keepdims=True) * u + a


def euc_reflection(x, a):
    xTa = jnp.sum(x * a, axis=-1, keepdims=True)
    norm_a_sq = jnp.sum(a * a, axis=-1, keepdims=True)
    proj = xTa * a / norm_a_sq
    return 2.0 * proj - x


def _halve(x):
    return x / (1.0 + jnp.sqrt(1.0 - jnp.sum(x * x, axis=-1, keepdims=True)))


def hyp_dist_o(x):
    x_norm = jnp.sqrt(jnp.sum(x * x, axis=-1, keepdims=True))
    return 2.0 * jnp.arctanh(x_norm)


def hyp_lca(x, y):
    # projection of the origin on the geodesic between x and y (HypHC, HazyResearch)
    r = reflection_center(x)
    y_inv = isometric_transform(r, y)
    o_inv = x
    o_inv_ref = euc_reflection(o_inv, y_inv)
    o_ref = isometric_transform(r, o_inv_ref)
    proj = _halve(o_ref)
    return hyp_dist_o(proj)


def setup_inputs(seed: int = 0) -> dict:
    key = jax.random.key(seed)
    k1, k2, k3, k4, k5, k6 = jax.random.split(key, 6)
    # sample 3 pairwise-distinct node ids per triple (Fisher-Yates correction)
    r0 = jax.random.randint(k1, (B,), 0, N_NODES)
    r1 = jax.random.randint(k2, (B,), 0, N_NODES - 1)
    r2 = jax.random.randint(k3, (B,), 0, N_NODES - 2)
    id0 = r0
    id1 = r1 + (r1 >= id0).astype(r1.dtype)
    lo = jnp.minimum(id0, id1)
    hi = jnp.maximum(id0, id1)
    id2 = r2 + (r2 >= lo).astype(r2.dtype)
    id2 = id2 + (id2 >= hi).astype(id2.dtype)
    triple_ids = jnp.stack([id0, id1, id2], axis=1).astype(jnp.int64)
    similarities = jax.random.uniform(k4, (B, 3), dtype=jnp.float32)
    # embedding table init: F.normalize(randn) * rand * init_size
    emb = jax.random.normal(k5, (N_NODES, RANK), dtype=jnp.float32)
    emb = _normalize(emb) * jax.random.uniform(k6, (N_NODES, 1), dtype=jnp.float32) * INIT_SIZE
    scale = jnp.array([INIT_SIZE], dtype=jnp.float32)
    return {"triple_ids": triple_ids, "similarities": similarities, "embeddings": emb, "scale": scale}


def reference(triple_ids, similarities, embeddings, scale):
    e1 = jnp.take(embeddings, triple_ids[:, 0], axis=0)
    e2 = jnp.take(embeddings, triple_ids[:, 1], axis=0)
    e3 = jnp.take(embeddings, triple_ids[:, 2], axis=0)
    e1 = normalize_embeddings(e1, scale)
    e2 = normalize_embeddings(e2, scale)
    e3 = normalize_embeddings(e3, scale)
    d_12 = hyp_lca(e1, e2)
    d_13 = hyp_lca(e1, e3)
    d_23 = hyp_lca(e2, e3)
    lca_norm = jnp.concatenate([d_12, d_13, d_23], axis=-1)
    weights = jax.nn.softmax(lca_norm / TEMPERATURE, axis=-1)
    w_ord = jnp.sum(similarities * weights, axis=-1, keepdims=True)
    total = jnp.sum(similarities, axis=-1, keepdims=True) - w_ord
    return jnp.mean(total)

if __name__ == "__main__":
    import jax
    _d = setup_inputs()
    print(jax.jit(kernel)(*tuple(_d.values())))

</pallas_src>

<mosaic_0001>
#map = affine_map<(d0, d1) -> (0)>
#map1 = affine_map<(d0, d1) -> (0, 0)>
module attributes {stable_mosaic.version = 14 : i64} {
  func.func @gather_kernel(%arg0: i32, %arg1: i32, %arg2: memref<49152xi32, #tpu.memory_space<hbm>>, %arg3: memref<2x1000000xf32, #tpu.memory_space<hbm>>, %arg4: memref<49152xf32, #tpu.memory_space<hbm>>, %arg5: memref<49152xf32, #tpu.memory_space<hbm>>, %arg6: memref<1536xi32, #tpu.memory_space<vmem>>, %arg7: memref<1536xf32, #tpu.memory_space<vmem>>, %arg8: memref<1536xf32, #tpu.memory_space<vmem>>, %arg9: memref<!tpu.dma_semaphore, #tpu.memory_space<semaphore_mem>>) attributes {dimension_semantics = [#tpu.dimension_semantics<core_parallel>, #tpu.dimension_semantics<subcore_parallel>], iteration_bounds = array<i64: 2, 16>, scalar_prefetch = 0 : i64, scratch_operands = 4 : i64, tpu.core_type = #tpu.core_type<sc_vector_subcore>, window_params = [{transform_indices = #map}, {transform_indices = #map1}, {transform_indices = #map}, {transform_indices = #map}]} {
    %mul3A = arith.constant 2 : i32
    %mul3A_0 = arith.muli %arg1, %mul3A : i32
    %add3A = arith.addi %mul3A_0, %arg0 : i32
    %mul3A_1 = arith.constant 1536 : i32
    %mul3A_2 = arith.muli %add3A, %mul3A_1 : i32
    "tpu.region"() ({
      %run_scoped3A = tpu.sem_alloc : memref<!tpu.dma_semaphore, #tpu.memory_space<semaphore_mem>>
      %dma_start3A_41 = tpu.memref_slice %arg2[%mul3A_2] : memref<49152xi32, #tpu.memory_space<hbm>> -> memref<1536xi32, #tpu.memory_space<hbm>>
      %dma_start3A_42 = tpu.memref_slice %arg2[%mul3A_2] : memref<49152xi32, #tpu.memory_space<hbm>> -> memref<1536xi32, #tpu.memory_space<hbm>>
      tpu.enqueue_dma source(%dma_start3A_42 : memref<1536xi32, #tpu.memory_space<hbm>>) target(%arg6 : memref<1536xi32, #tpu.memory_space<vmem>>) target_semaphore(%run_scoped3A : memref<!tpu.dma_semaphore, #tpu.memory_space<semaphore_mem>>)
      %dma_wait3A_43 = tpu.memref_slice %arg2[%mul3A_2] : memref<49152xi32, #tpu.memory_space<hbm>> -> memref<1536xi32, #tpu.memory_space<hbm>>
      %dma_wait3A_44 = tpu.memref_slice %arg2[%mul3A_2] : memref<49152xi32, #tpu.memory_space<hbm>> -> memref<1536xi32, #tpu.memory_space<hbm>>
      tpu.wait_dma2 semaphore(%run_scoped3A : memref<!tpu.dma_semaphore, #tpu.memory_space<semaphore_mem>>) src(%dma_wait3A_44 : memref<1536xi32, #tpu.memory_space<hbm>>) dst(%arg6 : memref<1536xi32, #tpu.memory_space<vmem>>)
      tpu.yield
    }) : () -> ()
    %dma_start3A = arith.constant 0 : i32
    %dma_start3A_3 = arith.constant 0 : i32
    %dma_start3A_4 = tpu.memref_slice %arg7[%dma_start3A_3] : memref<1536xf32, #tpu.memory_space<vmem>> -> memref<1536xf32, #tpu.memory_space<vmem>>
    %dma_start3A_5 = arith.constant 0 : i32
    %dma_start3A_6 = tpu.memref_slice %arg6[%dma_start3A_5] : memref<1536xi32, #tpu.memory_space<vmem>> -> memref<1536xi32, #tpu.memory_space<vmem>>
    %dma_start3A_7 = arith.constant 0 : i32
    %dma_start3A_8 = tpu.memref_slice %arg3[%dma_start3A, %dma_start3A_7] : memref<2x1000000xf32, #tpu.memory_space<hbm>> -> memref<1x1000000xf32, #tpu.memory_space<hbm>>
    %dma_start3A_9 = tpu.memref_squeeze %dma_start3A_8 : memref<1x1000000xf32, #tpu.memory_space<hbm>> -> memref<1000000xf32, #tpu.memory_space<hbm>>
    %dma_start3A_10 = arith.constant 0 : i32
    %dma_start3A_11 = tpu.memref_slice %dma_start3A_9[%dma_start3A_10] : memref<1000000xf32, #tpu.memory_space<hbm>> -> memref<1000000xf32, #tpu.memory_space<hbm>>
    tpu.enqueue_indirect_dma source(%dma_start3A_11 : memref<1000000xf32, #tpu.memory_space<hbm>>) target(%dma_start3A_4 : memref<1536xf32, #tpu.memory_space<vmem>>) offsets(%dma_start3A_6 : memref<1536xi32, #tpu.memory_space<vmem>>) semaphore(%arg9 : memref<!tpu.dma_semaphore, #tpu.memory_space<semaphore_mem>>)
    %dma_start3A_12 = arith.constant 1 : i32
    %dma_start3A_13 = arith.constant 0 : i32
    %dma_start3A_14 = tpu.memref_slice %arg8[%dma_start3A_13] : memref<1536xf32, #tpu.memory_space<vmem>> -> memref<1536xf32, #tpu.memory_space<vmem>>
    %dma_start3A_15 = arith.constant 0 : i32
    %dma_start3A_16 = tpu.memref_slice %arg6[%dma_start3A_15] : memref<1536xi32, #tpu.memory_space<vmem>> -> memref<1536xi32, #tpu.memory_space<vmem>>
    %dma_start3A_17 = arith.constant 0 : i32
    %dma_start3A_18 = tpu.memref_slice %arg3[%dma_start3A_12, %dma_start3A_17] : memref<2x1000000xf32, #tpu.memory_space<hbm>> -> memref<1x1000000xf32, #tpu.memory_space<hbm>>
    %dma_start3A_19 = tpu.memref_squeeze %dma_start3A_18 : memref<1x1000000xf32, #tpu.memory_space<hbm>> -> memref<1000000xf32, #tpu.memory_space<hbm>>
    %dma_start3A_20 = arith.constant 0 : i32
    %dma_start3A_21 = tpu.memref_slice %dma_start3A_19[%dma_start3A_20] : memref<1000000xf32, #tpu.memory_space<hbm>> -> memref<1000000xf32, #tpu.memory_space<hbm>>
    tpu.enqueue_indirect_dma source(%dma_start3A_21 : memref<1000000xf32, #tpu.memory_space<hbm>>) target(%dma_start3A_14 : memref<1536xf32, #tpu.memory_space<vmem>>) offsets(%dma_start3A_16 : memref<1536xi32, #tpu.memory_space<vmem>>) semaphore(%arg9 : memref<!tpu.dma_semaphore, #tpu.memory_space<semaphore_mem>>)
    %dma_wait3A = arith.constant 0 : i32
    %dma_wait3A_22 = arith.constant 0 : i32
    %dma_wait3A_23 = tpu.memref_slice %arg7[%dma_wait3A_22] : memref<1536xf32, #tpu.memory_space<vmem>> -> memref<1536xf32, #tpu.memory_space<vmem>>
    %dma_wait3A_24 = arith.constant 0 : i32
    %dma_wait3A_25 = tpu.memref_slice %arg6[%dma_wait3A_24] : memref<1536xi32, #tpu.memory_space<vmem>> -> memref<1536xi32, #tpu.memory_space<vmem>>
    %dma_wait3A_26 = arith.constant 0 : i32
    %dma_wait3A_27 = tpu.memref_slice %arg3[%dma_wait3A, %dma_wait3A_26] : memref<2x1000000xf32, #tpu.memory_space<hbm>> -> memref<1x1000000xf32, #tpu.memory_space<hbm>>
    %dma_wait3A_28 = tpu.memref_squeeze %dma_wait3A_27 : memref<1x1000000xf32, #tpu.memory_space<hbm>> -> memref<1000000xf32, #tpu.memory_space<hbm>>
    %dma_wait3A_29 = arith.constant 0 : i32
    %dma_wait3A_30 = tpu.memref_slice %dma_wait3A_28[%dma_wait3A_29] : memref<1000000xf32, #tpu.memory_space<hbm>> -> memref<1000000xf32, #tpu.memory_space<hbm>>
    tpu.wait_indirect_dma semaphore(%arg9 : memref<!tpu.dma_semaphore, #tpu.memory_space<semaphore_mem>>) src(%dma_wait3A_30 : memref<1000000xf32, #tpu.memory_space<hbm>>) dst(%dma_wait3A_23 : memref<1536xf32, #tpu.memory_space<vmem>>)
    %dma_wait3A_31 = arith.constant 1 : i32
    %dma_wait3A_32 = arith.constant 0 : i32
    %dma_wait3A_33 = tpu.memref_slice %arg8[%dma_wait3A_32] : memref<1536xf32, #tpu.memory_space<vmem>> -> memref<1536xf32, #tpu.memory_space<vmem>>
    %dma_wait3A_34 = arith.constant 0 : i32
    %dma_wait3A_35 = tpu.memref_slice %arg6[%dma_wait3A_34] : memref<1536xi32, #tpu.memory_space<vmem>> -> memref<1536xi32, #tpu.memory_space<vmem>>
    %dma_wait3A_36 = arith.constant 0 : i32
    %dma_wait3A_37 = tpu.memref_slice %arg3[%dma_wait3A_31, %dma_wait3A_36] : memref<2x1000000xf32, #tpu.memory_space<hbm>> -> memref<1x1000000xf32, #tpu.memory_space<hbm>>
    %dma_wait3A_38 = tpu.memref_squeeze %dma_wait3A_37 : memref<1x1000000xf32, #tpu.memory_space<hbm>> -> memref<1000000xf32, #tpu.memory_space<hbm>>
    %dma_wait3A_39 = arith.constant 0 : i32
    %dma_wait3A_40 = tpu.memref_slice %dma_wait3A_38[%dma_wait3A_39] : memref<1000000xf32, #tpu.memory_space<hbm>> -> memref<1000000xf32, #tpu.memory_space<hbm>>
    tpu.wait_indirect_dma semaphore(%arg9 : memref<!tpu.dma_semaphore, #tpu.memory_space<semaphore_mem>>) src(%dma_wait3A_40 : memref<1000000xf32, #tpu.memory_space<hbm>>) dst(%dma_wait3A_33 : memref<1536xf32, #tpu.memory_space<vmem>>)
    "tpu.region"() ({
      %run_scoped3A = tpu.sem_alloc : memref<!tpu.dma_semaphore, #tpu.memory_space<semaphore_mem>>
      %dma_start3A_41 = tpu.memref_slice %arg4[%mul3A_2] : memref<49152xf32, #tpu.memory_space<hbm>> -> memref<1536xf32, #tpu.memory_space<hbm>>
      %dma_start3A_42 = tpu.memref_slice %arg4[%mul3A_2] : memref<49152xf32, #tpu.memory_space<hbm>> -> memref<1536xf32, #tpu.memory_space<hbm>>
      tpu.enqueue_dma source(%arg7 : memref<1536xf32, #tpu.memory_space<vmem>>) target(%dma_start3A_42 : memref<1536xf32, #tpu.memory_space<hbm>>) target_semaphore(%run_scoped3A : memref<!tpu.dma_semaphore, #tpu.memory_space<semaphore_mem>>)
      %dma_wait3A_43 = tpu.memref_slice %arg4[%mul3A_2] : memref<49152xf32, #tpu.memory_space<hbm>> -> memref<1536xf32, #tpu.memory_space<hbm>>
      %dma_wait3A_44 = tpu.memref_slice %arg4[%mul3A_2] : memref<49152xf32, #tpu.memory_space<hbm>> -> memref<1536xf32, #tpu.memory_space<hbm>>
      tpu.wait_dma2 semaphore(%run_scoped3A : memref<!tpu.dma_semaphore, #tpu.memory_space<semaphore_mem>>) src(%arg7 : memref<1536xf32, #tpu.memory_space<vmem>>) dst(%dma_wait3A_44 : memref<1536xf32, #tpu.memory_space<hbm>>)
      tpu.yield
    }) : () -> ()
    "tpu.region"() ({
      %run_scoped3A = tpu.sem_alloc : memref<!tpu.dma_semaphore, #tpu.memory_space<semaphore_mem>>
      %dma_start3A_41 = tpu.memref_slice %arg5[%mul3A_2] : memref<49152xf32, #tpu.memory_space<hbm>> -> memref<1536xf32, #tpu.memory_space<hbm>>
      %dma_start3A_42 = tpu.memref_slice %arg5[%mul3A_2] : memref<49152xf32, #tpu.memory_space<hbm>> -> memref<1536xf32, #tpu.memory_space<hbm>>
      tpu.enqueue_dma source(%arg8 : memref<1536xf32, #tpu.memory_space<vmem>>) target(%dma_start3A_42 : memref<1536xf32, #tpu.memory_space<hbm>>) target_semaphore(%run_scoped3A : memref<!tpu.dma_semaphore, #tpu.memory_space<semaphore_mem>>)
      %dma_wait3A_43 = tpu.memref_slice %arg5[%mul3A_2] : memref<49152xf32, #tpu.memory_space<hbm>> -> memref<1536xf32, #tpu.memory_space<hbm>>
      %dma_wait3A_44 = tpu.memref_slice %arg5[%mul3A_2] : memref<49152xf32, #tpu.memory_space<hbm>> -> memref<1536xf32, #tpu.memory_space<hbm>>
      tpu.wait_dma2 semaphore(%run_scoped3A : memref<!tpu.dma_semaphore, #tpu.memory_space<semaphore_mem>>) src(%arg8 : memref<1536xf32, #tpu.memory_space<vmem>>) dst(%dma_wait3A_44 : memref<1536xf32, #tpu.memory_space<hbm>>)
      tpu.yield
    }) : () -> ()
    return
  }
}

module attributes {stable_mosaic.version = 14 : i64} {
  func.func @_loss_body(%arg0: memref<3x128x128xf32, #tpu.memory_space<vmem>>, %arg1: memref<3x128x128xf32, #tpu.memory_space<vmem>>, %arg2: memref<3x128x128xf32, #tpu.memory_space<vmem>>, %arg3: memref<1x1xf32, #tpu.memory_space<smem>>, %arg4: memref<1x1xf32, #tpu.memory_space<smem>>) attributes {dimension_semantics = [], scalar_prefetch = 0 : i64, scratch_operands = 0 : i64, tpu.core_type = #tpu.core_type<tc>} {
    %get3A = arith.constant 0 : index
    %get3A_0 = arith.constant 0 : index
    %get3A_1 = memref.load %arg3[%get3A, %get3A_0] : memref<1x1xf32, #tpu.memory_space<smem>>
    %jit3A = arith.constant 0.00999999977 : f32
    %jit3A_2 = arith.constant 9.990000e-01 : f32
    %max3A = arith.maximumf %jit3A, %get3A_1 : f32
    %min3A = arith.minimumf %jit3A_2, %max3A : f32
    %get3A_3 = arith.constant 0 : index
    %get3A_4 = arith.constant 0 : index
    %get3A_5 = arith.constant 0 : index
    %get3A_6 = vector.load %arg0[%get3A_3, %get3A_4, %get3A_5] : memref<3x128x128xf32, #tpu.memory_space<vmem>>, vector<1x128x128xf32>
    %get3A_7 = vector.shape_cast %get3A_6 : vector<1x128x128xf32> to vector<128x128xf32>
    %get3A_8 = arith.constant 0 : index
    %get3A_9 = arith.constant 0 : index
    %get3A_10 = arith.constant 0 : index
    %get3A_11 = vector.load %arg1[%get3A_8, %get3A_9, %get3A_10] : memref<3x128x128xf32, #tpu.memory_space<vmem>>, vector<1x128x128xf32>
    %get3A_12 = vector.shape_cast %get3A_11 : vector<1x128x128xf32> to vector<128x128xf32>
    %mul3A = arith.mulf %get3A_7, %get3A_7 : vector<128x128xf32>
    %mul3A_13 = arith.mulf %get3A_12, %get3A_12 : vector<128x128xf32>
    %add3A = arith.addf %mul3A, %mul3A_13 : vector<128x128xf32>
    %sqrt3A = math.sqrt %add3A : vector<128x128xf32>
    %max3A_14 = arith.constant 9.99999996E-13 : f32
    %max3A_15 = vector.broadcast %max3A_14 : f32 to vector<128x128xf32>
    %max3A_16 = arith.maximumf %sqrt3A, %max3A_15 : vector<128x128xf32>
    %div3A = vector.broadcast %min3A : f32 to vector<128x128xf32>
    %div3A_17 = arith.divf %div3A, %max3A_16 : vector<128x128xf32>
    %mul3A_18 = arith.mulf %get3A_7, %div3A_17 : vector<128x128xf32>
    %mul3A_19 = arith.mulf %get3A_12, %div3A_17 : vector<128x128xf32>
    %get3A_20 = arith.constant 1 : index
    %get3A_21 = arith.constant 0 : index
    %get3A_22 = arith.constant 0 : index
    %get3A_23 = vector.load %arg0[%get3A_20, %get3A_21, %get3A_22] : memref<3x128x128xf32, #tpu.memory_space<vmem>>, vector<1x128x128xf32>
    %get3A_24 = vector.shape_cast %get3A_23 : vector<1x128x128xf32> to vector<128x128xf32>
    %get3A_25 = arith.constant 1 : index
    %get3A_26 = arith.constant 0 : index
    %get3A_27 = arith.constant 0 : index
    %get3A_28 = vector.load %arg1[%get3A_25, %get3A_26, %get3A_27] : memref<3x128x128xf32, #tpu.memory_space<vmem>>, vector<1x128x128xf32>
    %get3A_29 = vector.shape_cast %get3A_28 : vector<1x128x128xf32> to vector<128x128xf32>
    %mul3A_30 = arith.mulf %get3A_24, %get3A_24 : vector<128x128xf32>
    %mul3A_31 = arith.mulf %get3A_29, %get3A_29 : vector<128x128xf32>
    %add3A_32 = arith.addf %mul3A_30, %mul3A_31 : vector<128x128xf32>
    %sqrt3A_33 = math.sqrt %add3A_32 : vector<128x128xf32>
    %max3A_34 = arith.constant 9.99999996E-13 : f32
    %max3A_35 = vector.broadcast %max3A_34 : f32 to vector<128x128xf32>
    %max3A_36 = arith.maximumf %sqrt3A_33, %max3A_35 : vector<128x128xf32>
    %div3A_37 = vector.broadcast %min3A : f32 to vector<128x128xf32>
    %div3A_38 = arith.divf %div3A_37, %max3A_36 : vector<128x128xf32>
    %mul3A_39 = arith.mulf %get3A_24, %div3A_38 : vector<128x128xf32>
    %mul3A_40 = arith.mulf %get3A_29, %div3A_38 : vector<128x128xf32>
    %get3A_41 = arith.constant 2 : index
    %get3A_42 = arith.constant 0 : index
    %get3A_43 = arith.constant 0 : index
    %get3A_44 = vector.load %arg0[%get3A_41, %get3A_42, %get3A_43] : memref<3x128x128xf32, #tpu.memory_space<vmem>>, vector<1x128x128xf32>
    %get3A_45 = vector.shape_cast %get3A_44 : vector<1x128x128xf32> to vector<128x128xf32>
    %get3A_46 = arith.constant 2 : index
    %get3A_47 = arith.constant 0 : index
    %get3A_48 = arith.constant 0 : index
    %get3A_49 = vector.load %arg1[%get3A_46, %get3A_47, %get3A_48] : memref<3x128x128xf32, #tpu.memory_space<vmem>>, vector<1x128x128xf32>
    %get3A_50 = vector.shape_cast %get3A_49 : vector<1x128x128xf32> to vector<128x128xf32>
    %mul3A_51 = arith.mulf %get3A_45, %get3A_45 : vector<128x128xf32>
    %mul3A_52 = arith.mulf %get3A_50, %get3A_50 : vector<128x128xf32>
    %add3A_53 = arith.addf %mul3A_51, %mul3A_52 : vector<128x128xf32>
    %sqrt3A_54 = math.sqrt %add3A_53 : vector<128x128xf32>
    %max3A_55 = arith.constant 9.99999996E-13 : f32
    %max3A_56 = vector.broadcast %max3A_55 : f32 to vector<128x128xf32>
    %max3A_57 = arith.maximumf %sqrt3A_54, %max3A_56 : vector<128x128xf32>
    %div3A_58 = vector.broadcast %min3A : f32 to vector<128x128xf32>
    %div3A_59 = arith.divf %div3A_58, %max3A_57 : vector<128x128xf32>
    %mul3A_60 = arith.mulf %get3A_45, %div3A_59 : vector<128x128xf32>
    %mul3A_61 = arith.mulf %get3A_50, %div3A_59 : vector<128x128xf32>
    %mul3A_62 = arith.mulf %mul3A_18, %mul3A_18 : vector<128x128xf32>
    %mul3A_63 = arith.mulf %mul3A_19, %mul3A_19 : vector<128x128xf32>
    %add3A_64 = arith.addf %mul3A_62, %mul3A_63 : vector<128x128xf32>
    %div3A_65 = arith.divf %mul3A_18, %add3A_64 : vector<128x128xf32>
    %div3A_66 = arith.divf %mul3A_19, %add3A_64 : vector<128x128xf32>
    %mul3A_67 = arith.mulf %div3A_65, %div3A_65 : vector<128x128xf32>
    %mul3A_68 = arith.mulf %div3A_66, %div3A_66 : vector<128x128xf32>
    %add3A_69 = arith.addf %mul3A_67, %mul3A_68 : vector<128x128xf32>
    %sub3A = arith.constant 1.000000e+00 : f32
    %sub3A_70 = vector.broadcast %sub3A : f32 to vector<128x128xf32>
    %sub3A_71 = arith.subf %add3A_69, %sub3A_70 : vector<128x128xf32>
    %sub3A_72 = arith.subf %mul3A_39, %div3A_65 : vector<128x128xf32>
    %sub3A_73 = arith.subf %mul3A_40, %div3A_66 : vector<128x128xf32>
    %mul3A_74 = arith.mulf %sub3A_72, %sub3A_72 : vector<128x128xf32>
    %mul3A_75 = arith.mulf %sub3A_73, %sub3A_73 : vector<128x128xf32>
    %add3A_76 = arith.addf %mul3A_74, %mul3A_75 : vector<128x128xf32>
    %div3A_77 = arith.divf %sub3A_71, %add3A_76 : vector<128x128xf32>
    %mul3A_78 = arith.mulf %div3A_77, %sub3A_72 : vector<128x128xf32>
    %add3A_79 = arith.addf %mul3A_78, %div3A_65 : vector<128x128xf32>
    %mul3A_80 = arith.mulf %div3A_77, %sub3A_73 : vector<128x128xf32>
    %add3A_81 = arith.addf %mul3A_80, %div3A_66 : vector<128x128xf32>
    %mul3A_82 = arith.mulf %mul3A_18, %add3A_79 : vector<128x128xf32>
    %mul3A_83 = arith.mulf %mul3A_19, %add3A_81 : vector<128x128xf32>
    %add3A_84 = arith.addf %mul3A_82, %mul3A_83 : vector<128x128xf32>
    %mul3A_85 = arith.constant 2.000000e+00 : f32
    %mul3A_86 = vector.broadcast %mul3A_85 : f32 to vector<128x128xf32>
    %mul3A_87 = arith.mulf %mul3A_86, %add3A_84 : vector<128x128xf32>
    %mul3A_88 = arith.mulf %add3A_79, %add3A_79 : vector<128x128xf32>
    %mul3A_89 = arith.mulf %add3A_81, %add3A_81 : vector<128x128xf32>
    %add3A_90 = arith.addf %mul3A_88, %mul3A_89 : vector<128x128xf32>
    %div3A_91 = arith.divf %mul3A_87, %add3A_90 : vector<128x128xf32>
    %mul3A_92 = arith.mulf %div3A_91, %add3A_79 : vector<128x128xf32>
    %sub3A_93 = arith.subf %mul3A_92, %mul3A_18 : vector<128x128xf32>
    %mul3A_94 = arith.mulf %div3A_91, %add3A_81 : vector<128x128xf32>
    %sub3A_95 = arith.subf %mul3A_94, %mul3A_19 : vector<128x128xf32>
    %sub3A_96 = arith.subf %sub3A_93, %div3A_65 : vector<128x128xf32>
    %sub3A_97 = arith.subf %sub3A_95, %div3A_66 : vector<128x128xf32>
    %mul3A_98 = arith.mulf %sub3A_96, %sub3A_96 : vector<128x128xf32>
    %mul3A_99 = arith.mulf %sub3A_97, %sub3A_97 : vector<128x128xf32>
    %add3A_100 = arith.addf %mul3A_98, %mul3A_99 : vector<128x128xf32>
    %div3A_101 = arith.divf %sub3A_71, %add3A_100 : vector<128x128xf32>
    %mul3A_102 = arith.mulf %div3A_101, %sub3A_96 : vector<128x128xf32>
    %add3A_103 = arith.addf %mul3A_102, %div3A_65 : vector<128x128xf32>
    %mul3A_104 = arith.mulf %div3A_101, %sub3A_97 : vector<128x128xf32>
    %add3A_105 = arith.addf %mul3A_104, %div3A_66 : vector<128x128xf32>
    %mul3A_106 = arith.mulf %add3A_103, %add3A_103 : vector<128x128xf32>
    %mul3A_107 = arith.mulf %add3A_105, %add3A_105 : vector<128x128xf32>
    %add3A_108 = arith.addf %mul3A_106, %mul3A_107 : vector<128x128xf32>
    %sub3A_109 = arith.constant 1.000000e+00 : f32
    %sub3A_110 = vector.broadcast %sub3A_109 : f32 to vector<128x128xf32>
    %sub3A_111 = arith.subf %sub3A_110, %add3A_108 : vector<128x128xf32>
    %sqrt3A_112 = math.sqrt %sub3A_111 : vector<128x128xf32>
    %add3A_113 = arith.constant 1.000000e+00 : f32
    %add3A_114 = vector.broadcast %add3A_113 : f32 to vector<128x128xf32>
    %add3A_115 = arith.addf %add3A_114, %sqrt3A_112 : vector<128x128xf32>
    %sqrt3A_116 = math.sqrt %add3A_108 : vector<128x128xf32>
    %div3A_117 = arith.divf %sqrt3A_116, %add3A_115 : vector<128x128xf32>
    %add3A_118 = arith.constant 1.000000e+00 : f32
    %add3A_119 = vector.broadcast %add3A_118 : f32 to vector<128x128xf32>
    %add3A_120 = arith.addf %add3A_119, %div3A_117 : vector<128x128xf32>
    %sub3A_121 = arith.constant 1.000000e+00 : f32
    %sub3A_122 = vector.broadcast %sub3A_121 : f32 to vector<128x128xf32>
    %sub3A_123 = arith.subf %sub3A_122, %div3A_117 : vector<128x128xf32>
    %div3A_124 = arith.divf %add3A_120, %sub3A_123 : vector<128x128xf32>
    %log3A = math.log %div3A_124 : vector<128x128xf32>
    %mul3A_125 = arith.constant 2.000000e+01 : f32
    %mul3A_126 = vector.broadcast %mul3A_125 : f32 to vector<128x128xf32>
    %mul3A_127 = arith.mulf %log3A, %mul3A_126 : vector<128x128xf32>
    %mul3A_128 = arith.mulf %mul3A_18, %mul3A_18 : vector<128x128xf32>
    %mul3A_129 = arith.mulf %mul3A_19, %mul3A_19 : vector<128x128xf32>
    %add3A_130 = arith.addf %mul3A_128, %mul3A_129 : vector<128x128xf32>
    %div3A_131 = arith.divf %mul3A_18, %add3A_130 : vector<128x128xf32>
    %div3A_132 = arith.divf %mul3A_19, %add3A_130 : vector<128x128xf32>
    %mul3A_133 = arith.mulf %div3A_131, %div3A_131 : vector<128x128xf32>
    %mul3A_134 = arith.mulf %div3A_132, %div3A_132 : vector<128x128xf32>
    %add3A_135 = arith.addf %mul3A_133, %mul3A_134 : vector<128x128xf32>
    %sub3A_136 = arith.constant 1.000000e+00 : f32
    %sub3A_137 = vector.broadcast %sub3A_136 : f32 to vector<128x128xf32>
    %sub3A_138 = arith.subf %add3A_135, %sub3A_137 : vector<128x128xf32>
    %sub3A_139 = arith.subf %mul3A_60, %div3A_131 : vector<128x128xf32>
    %sub3A_140 = arith.subf %mul3A_61, %div3A_132 : vector<128x128xf32>
    %mul3A_141 = arith.mulf %sub3A_139, %sub3A_139 : vector<128x128xf32>
    %mul3A_142 = arith.mulf %sub3A_140, %sub3A_140 : vector<128x128xf32>
    %add3A_143 = arith.addf %mul3A_141, %mul3A_142 : vector<128x128xf32>
    %div3A_144 = arith.divf %sub3A_138, %add3A_143 : vector<128x128xf32>
    %mul3A_145 = arith.mulf %div3A_144, %sub3A_139 : vector<128x128xf32>
    %add3A_146 = arith.addf %mul3A_145, %div3A_131 : vector<128x128xf32>
    %mul3A_147 = arith.mulf %div3A_144, %sub3A_140 : vector<128x128xf32>
    %add3A_148 = arith.addf %mul3A_147, %div3A_132 : vector<128x128xf32>
    %mul3A_149 = arith.mulf %mul3A_18, %add3A_146 : vector<128x128xf32>
    %mul3A_150 = arith.mulf %mul3A_19, %add3A_148 : vector<128x128xf32>
    %add3A_151 = arith.addf %mul3A_149, %mul3A_150 : vector<128x128xf32>
    %mul3A_152 = arith.constant 2.000000e+00 : f32
    %mul3A_153 = vector.broadcast %mul3A_152 : f32 to vector<128x128xf32>
    %mul3A_154 = arith.mulf %mul3A_153, %add3A_151 : vector<128x128xf32>
    %mul3A_155 = arith.mulf %add3A_146, %add3A_146 : vector<128x128xf32>
    %mul3A_156 = arith.mulf %add3A_148, %add3A_148 : vector<128x128xf32>
    %add3A_157 = arith.addf %mul3A_155, %mul3A_156 : vector<128x128xf32>
    %div3A_158 = arith.divf %mul3A_154, %add3A_157 : vector<128x128xf32>
    %mul3A_159 = arith.mulf %div3A_158, %add3A_146 : vector<128x128xf32>
    %sub3A_160 = arith.subf %mul3A_159, %mul3A_18 : vector<128x128xf32>
    %mul3A_161 = arith.mulf %div3A_158, %add3A_148 : vector<128x128xf32>
    %sub3A_162 = arith.subf %mul3A_161, %mul3A_19 : vector<128x128xf32>
    %sub3A_163 = arith.subf %sub3A_160, %div3A_131 : vector<128x128xf32>
    %sub3A_164 = arith.subf %sub3A_162, %div3A_132 : vector<128x128xf32>
    %mul3A_165 = arith.mulf %sub3A_163, %sub3A_163 : vector<128x128xf32>
    %mul3A_166 = arith.mulf %sub3A_164, %sub3A_164 : vector<128x128xf32>
    %add3A_167 = arith.addf %mul3A_165, %mul3A_166 : vector<128x128xf32>
    %div3A_168 = arith.divf %sub3A_138, %add3A_167 : vector<128x128xf32>
    %mul3A_169 = arith.mulf %div3A_168, %sub3A_163 : vector<128x128xf32>
    %add3A_170 = arith.addf %mul3A_169, %div3A_131 : vector<128x128xf32>
    %mul3A_171 = arith.mulf %div3A_168, %sub3A_164 : vector<128x128xf32>
    %add3A_172 = arith.addf %mul3A_171, %div3A_132 : vector<128x128xf32>
    %mul3A_173 = arith.mulf %add3A_170, %add3A_170 : vector<128x128xf32>
    %mul3A_174 = arith.mulf %add3A_172, %add3A_172 : vector<128x128xf32>
    %add3A_175 = arith.addf %mul3A_173, %mul3A_174 : vector<128x128xf32>
    %sub3A_176 = arith.constant 1.000000e+00 : f32
    %sub3A_177 = vector.broadcast %sub3A_176 : f32 to vector<128x128xf32>
    %sub3A_178 = arith.subf %sub3A_177, %add3A_175 : vector<128x128xf32>
    %sqrt3A_179 = math.sqrt %sub3A_178 : vector<128x128xf32>
    %add3A_180 = arith.constant 1.000000e+00 : f32
    %add3A_181 = vector.broadcast %add3A_180 : f32 to vector<128x128xf32>
    %add3A_182 = arith.addf %add3A_181, %sqrt3A_179 : vector<128x128xf32>
    %sqrt3A_183 = math.sqrt %add3A_175 : vector<128x128xf32>
    %div3A_184 = arith.divf %sqrt3A_183, %add3A_182 : vector<128x128xf32>
    %add3A_185 = arith.constant 1.000000e+00 : f32
    %add3A_186 = vector.broadcast %add3A_185 : f32 to vector<128x128xf32>
    %add3A_187 = arith.addf %add3A_186, %div3A_184 : vector<128x128xf32>
    %sub3A_188 = arith.constant 1.000000e+00 : f32
    %sub3A_189 = vector.broadcast %sub3A_188 : f32 to vector<128x128xf32>
    %sub3A_190 = arith.subf %sub3A_189, %div3A_184 : vector<128x128xf32>
    %div3A_191 = arith.divf %add3A_187, %sub3A_190 : vector<128x128xf32>
    %log3A_192 = math.log %div3A_191 : vector<128x128xf32>
    %mul3A_193 = arith.constant 2.000000e+01 : f32
    %mul3A_194 = vector.broadcast %mul3A_193 : f32 to vector<128x128xf32>
    %mul3A_195 = arith.mulf %log3A_192, %mul3A_194 : vector<128x128xf32>
    %mul3A_196 = arith.mulf %mul3A_39, %mul3A_39 : vector<128x128xf32>
    %mul3A_197 = arith.mulf %mul3A_40, %mul3A_40 : vector<128x128xf32>
    %add3A_198 = arith.addf %mul3A_196, %mul3A_197 : vector<128x128xf32>
    %div3A_199 = arith.divf %mul3A_39, %add3A_198 : vector<128x128xf32>
    %div3A_200 = arith.divf %mul3A_40, %add3A_198 : vector<128x128xf32>
    %mul3A_201 = arith.mulf %div3A_199, %div3A_199 : vector<128x128xf32>
    %mul3A_202 = arith.mulf %div3A_200, %div3A_200 : vector<128x128xf32>
    %add3A_203 = arith.addf %mul3A_201, %mul3A_202 : vector<128x128xf32>
    %sub3A_204 = arith.constant 1.000000e+00 : f32
    %sub3A_205 = vector.broadcast %sub3A_204 : f32 to vector<128x128xf32>
    %sub3A_206 = arith.subf %add3A_203, %sub3A_205 : vector<128x128xf32>
    %sub3A_207 = arith.subf %mul3A_60, %div3A_199 : vector<128x128xf32>
    %sub3A_208 = arith.subf %mul3A_61, %div3A_200 : vector<128x128xf32>
    %mul3A_209 = arith.mulf %sub3A_207, %sub3A_207 : vector<128x128xf32>
    %mul3A_210 = arith.mulf %sub3A_208, %sub3A_208 : vector<128x128xf32>
    %add3A_211 = arith.addf %mul3A_209, %mul3A_210 : vector<128x128xf32>
    %div3A_212 = arith.divf %sub3A_206, %add3A_211 : vector<128x128xf32>
    %mul3A_213 = arith.mulf %div3A_212, %sub3A_207 : vector<128x128xf32>
    %add3A_214 = arith.addf %mul3A_213, %div3A_199 : vector<128x128xf32>
    %mul3A_215 = arith.mulf %div3A_212, %sub3A_208 : vector<128x128xf32>
    %add3A_216 = arith.addf %mul3A_215, %div3A_200 : vector<128x128xf32>
    %mul3A_217 = arith.mulf %mul3A_39, %add3A_214 : vector<128x128xf32>
    %mul3A_218 = arith.mulf %mul3A_40, %add3A_216 : vector<128x128xf32>
    %add3A_219 = arith.addf %mul3A_217, %mul3A_218 : vector<128x128xf32>
    %mul3A_220 = arith.constant 2.000000e+00 : f32
    %mul3A_221 = vector.broadcast %mul3A_220 : f32 to vector<128x128xf32>
    %mul3A_222 = arith.mulf %mul3A_221, %add3A_219 : vector<128x128xf32>
    %mul3A_223 = arith.mulf %add3A_214, %add3A_214 : vector<128x128xf32>
    %mul3A_224 = arith.mulf %add3A_216, %add3A_216 : vector<128x128xf32>
    %add3A_225 = arith.addf %mul3A_223, %mul3A_224 : vector<128x128xf32>
    %div3A_226 = arith.divf %mul3A_222, %add3A_225 : vector<128x128xf32>
    %mul3A_227 = arith.mulf %div3A_226, %add3A_214 : vector<128x128xf32>
    %sub3A_228 = arith.subf %mul3A_227, %mul3A_39 : vector<128x128xf32>
    %mul3A_229 = arith.mulf %div3A_226, %add3A_216 : vector<128x128xf32>
    %sub3A_230 = arith.subf %mul3A_229, %mul3A_40 : vector<128x128xf32>
    %sub3A_231 = arith.subf %sub3A_228, %div3A_199 : vector<128x128xf32>
    %sub3A_232 = arith.subf %sub3A_230, %div3A_200 : vector<128x128xf32>
    %mul3A_233 = arith.mulf %sub3A_231, %sub3A_231 : vector<128x128xf32>
    %mul3A_234 = arith.mulf %sub3A_232, %sub3A_232 : vector<128x128xf32>
    %add3A_235 = arith.addf %mul3A_233, %mul3A_234 : vector<128x128xf32>
    %div3A_236 = arith.divf %sub3A_206, %add3A_235 : vector<128x128xf32>
    %mul3A_237 = arith.mulf %div3A_236, %sub3A_231 : vector<128x128xf32>
    %add3A_238 = arith.addf %mul3A_237, %div3A_199 : vector<128x128xf32>
    %mul3A_239 = arith.mulf %div3A_236, %sub3A_232 : vector<128x128xf32>
    %add3A_240 = arith.addf %mul3A_239, %div3A_200 : vector<128x128xf32>
    %mul3A_241 = arith.mulf %add3A_238, %add3A_238 : vector<128x128xf32>
    %mul3A_242 = arith.mulf %add3A_240, %add3A_240 : vector<128x128xf32>
    %add3A_243 = arith.addf %mul3A_241, %mul3A_242 : vector<128x128xf32>
    %sub3A_244 = arith.constant 1.000000e+00 : f32
    %sub3A_245 = vector.broadcast %sub3A_244 : f32 to vector<128x128xf32>
    %sub3A_246 = arith.subf %sub3A_245, %add3A_243 : vector<128x128xf32>
    %sqrt3A_247 = math.sqrt %sub3A_246 : vector<128x128xf32>
    %add3A_248 = arith.constant 1.000000e+00 : f32
    %add3A_249 = vector.broadcast %add3A_248 : f32 to vector<128x128xf32>
    %add3A_250 = arith.addf %add3A_249, %sqrt3A_247 : vector<128x128xf32>
    %sqrt3A_251 = math.sqrt %add3A_243 : vector<128x128xf32>
    %div3A_252 = arith.divf %sqrt3A_251, %add3A_250 : vector<128x128xf32>
    %add3A_253 = arith.constant 1.000000e+00 : f32
    %add3A_254 = vector.broadcast %add3A_253 : f32 to vector<128x128xf32>
    %add3A_255 = arith.addf %add3A_254, %div3A_252 : vector<128x128xf32>
    %sub3A_256 = arith.constant 1.000000e+00 : f32
    %sub3A_257 = vector.broadcast %sub3A_256 : f32 to vector<128x128xf32>
    %sub3A_258 = arith.subf %sub3A_257, %div3A_252 : vector<128x128xf32>
    %div3A_259 = arith.divf %add3A_255, %sub3A_258 : vector<128x128xf32>
    %log3A_260 = math.log %div3A_259 : vector<128x128xf32>
    %mul3A_261 = arith.constant 2.000000e+01 : f32
    %mul3A_262 = vector.broadcast %mul3A_261 : f32 to vector<128x128xf32>
    %mul3A_263 = arith.mulf %log3A_260, %mul3A_262 : vector<128x128xf32>
    %max3A_264 = arith.maximumf %mul3A_127, %mul3A_195 : vector<128x128xf32>
    %max3A_265 = arith.maximumf %max3A_264, %mul3A_263 : vector<128x128xf32>
    %sub3A_266 = arith.subf %mul3A_127, %max3A_265 : vector<128x128xf32>
    %exp3A = math.exp %sub3A_266 : vector<128x128xf32>
    %sub3A_267 = arith.subf %mul3A_195, %max3A_265 : vector<128x128xf32>
    %exp3A_268 = math.exp %sub3A_267 : vector<128x128xf32>
    %sub3A_269 = arith.subf %mul3A_263, %max3A_265 : vector<128x128xf32>
    %exp3A_270 = math.exp %sub3A_269 : vector<128x128xf32>
    %add3A_271 = arith.addf %exp3A, %exp3A_268 : vector<128x128xf32>
    %add3A_272 = arith.addf %add3A_271, %exp3A_270 : vector<128x128xf32>
    %get3A_273 = arith.constant 0 : index
    %get3A_274 = arith.constant 0 : index
    %get3A_275 = arith.constant 0 : index
    %get3A_276 = vector.load %arg2[%get3A_273, %get3A_274, %get3A_275] : memref<3x128x128xf32, #tpu.memory_space<vmem>>, vector<1x128x128xf32>
    %get3A_277 = vector.shape_cast %get3A_276 : vector<1x128x128xf32> to vector<128x128xf32>
    %get3A_278 = arith.constant 1 : index
    %get3A_279 = arith.constant 0 : index
    %get3A_280 = arith.constant 0 : index
    %get3A_281 = vector.load %arg2[%get3A_278, %get3A_279, %get3A_280] : memref<3x128x128xf32, #tpu.memory_space<vmem>>, vector<1x128x128xf32>
    %get3A_282 = vector.shape_cast %get3A_281 : vector<1x128x128xf32> to vector<128x128xf32>
    %get3A_283 = arith.constant 2 : index
    %get3A_284 = arith.constant 0 : index
    %get3A_285 = arith.constant 0 : index
    %get3A_286 = vector.load %arg2[%get3A_283, %get3A_284, %get3A_285] : memref<3x128x128xf32, #tpu.memory_space<vmem>>, vector<1x128x128xf32>
    %get3A_287 = vector.shape_cast %get3A_286 : vector<1x128x128xf32> to vector<128x128xf32>
    %mul3A_288 = arith.mulf %get3A_277, %exp3A : vector<128x128xf32>
    %mul3A_289 = arith.mulf %get3A_282, %exp3A_268 : vector<128x128xf32>
    %add3A_290 = arith.addf %mul3A_288, %mul3A_289 : vector<128x128xf32>
    %mul3A_291 = arith.mulf %get3A_287, %exp3A_270 : vector<128x128xf32>
    %add3A_292 = arith.addf %add3A_290, %mul3A_291 : vector<128x128xf32>
    %div3A_293 = arith.divf %add3A_292, %add3A_272 : vector<128x128xf32>
    %add3A_294 = arith.addf %get3A_277, %get3A_282 : vector<128x128xf32>
    %add3A_295 = arith.addf %add3A_294, %get3A_287 : vector<128x128xf32>
    %sub3A_296 = arith.subf %add3A_295, %div3A_293 : vector<128x128xf32>
    %reduce_sum3A = vector.shape_cast %sub3A_296 : vector<128x128xf32> to vector<1x128x128xf32>
    %reduce_sum3A_297 = arith.constant dense<0.000000e+00> : vector<1xf32>
    %reduce_sum3A_298 = vector.multi_reduction <add>, %reduce_sum3A, %reduce_sum3A_297 [1, 2] : vector<1x128x128xf32> to vector<1xf32>
    %reduce_sum3A_299 = vector.shape_cast %reduce_sum3A_298 : vector<1xf32> to vector<1x1x1xf32>
    %reduce_sum3A_300 = vector.extract %reduce_sum3A_299[0, 0, 0] : f32 from vector<1x1x1xf32>
    %mul3A_301 = arith.constant 6.10351563E-5 : f32
    %mul3A_302 = arith.mulf %reduce_sum3A_300, %mul3A_301 : f32
    %swap3A = arith.constant 0 : index
    %swap3A_303 = arith.constant 0 : index
    %swap3A_304 = memref.load %arg4[%swap3A, %swap3A_303] : memref<1x1xf32, #tpu.memory_space<smem>>
    memref.store %mul3A_302, %arg4[%swap3A, %swap3A_303] : memref<1x1xf32, #tpu.memory_space<smem>>
    return
  }
}

</mosaic_0001>

<sc_bundles>
// kernel: kernel.4.cloned.1.call-start
scs
__scs_entry_jumppad:
0x0: {  	(pc) =	sbr.rel $0x88, $3  }
0x1: {  	(tag) =	ssettag $0x0;
	lr =	simm.s32 $0x1  }
0x2: {  	[smem:$0x3F9D] =	sst lr;
	_ =	strace $0xD0000000  }
0x3: {  	_ = 	snop  }
0x4: {  	_ = 	snop  }
0x5: {  	_ = 	snop  }
0x6: {  	_ = 	snop  }
0x7: {  	_ = 	snop  }
__scs_overlays_trampoline_lowered:
0x8: {  	[smem:$0x3FAC] =	sst s0  }
0x9: {  	[smem:$0x3FAD] =	sst s1  }
0xa: {  	[smem:$0x3FAE] =	sst s2  }
0xb: {  	[smem:$0x3FAF] =	sst s3  }
0xc: {  	[smem:$0x3FB0] =	sst s4  }
0xd: {  	[smem:$0x3FB1] =	sst s5  }
0xe: {  	[smem:$0x3FB2] =	sst s6  }
0xf: {  	[smem:$0x3FB3] =	sst s7  }
0x10: {  	[smem:$0x3FB4] =	sst s8  }
0x11: {  	[smem:$0x3FB5] =	sst s9;
	s0 =	simm.s32 @!p0 $0x0  }
0x12: {  	s1 =	sld [smem:$0x3F9B];
	s0 =	simm.s32 @p0 $0x1  }
0x13: {  	[smem:$0x3FB6] =	sst s0;
	s0 =	simm.s32 @!p1 $0x0  }
0x14: {  	s2 =	sld [smem:$0x3F9A];
	s0 =	simm.s32 @p1 $0x1  }
0x15: {  	[smem:$0x3FB7] =	sst s0;
	s0 =	simm.s32 @!p2 $0x0  }
0x16: {  	s3 =	sld [smem:$0x3FDB];
	s0 =	simm.s32 @p2 $0x1  }
0x17: {  	s4 =	simm.s32 $0x1BF5;
	[smem:$0x3FB9] =	sst s0  }
0x18: {  	s0 =	sld [smem:$0x3F9C];
	_ =	swait.ge [sflag:s4], $0x0  }
0x19: {  	s7 =	sld [smem:$0x3F9D]  }
0x1a: {  	s8 =	sadd.s32 $0xFFFFE003, lr  }
0x1b: {  	s9 =	sadd.s32 $0xFFFFFEF7, lr;
	s5 =	simm.s32 $0xFFFFFFFF;
	p2 =	slt.u32 s8, $0xFFFFF086  }
0x1c: {  	p1 =	slt.u32 s9, $0xF7A;
	s5 =	simm.s32 @!p2 $0x0  }
0x1d: {  	s5 =	simm.s32 @p1 $0x1;
	p0 =	seq.s32 s7, s2  }
0x1e: {  	s7 =	smul.u32 @!p0 $0xF7A, s2;
	p2 =	seq.s32 @!p0 s5, $0x0  }
0x1f: {  	s9 =	smul.u32 $0xF7A, s1;
	s8 =	simm.s32 @!p0 $0x1BF5;
	p2 =	por !p2, p0  }
0x20: {  	[sflag:s8] =	ssyncset.s32 @!p0 $0xFFFFF086;
	s6 =	sadd.s32 @!p0 s3, s7;
	s7 =	simm.s32 @!p0 $0x108  }
0x21: {  	s3 =	sadd.s32 s3, s9;
	s6 =	sadd.s32 @!p0 $0x88, s6;
	s7 =	simm.s32 @p2 $0x1082  }
0x22: {  	[simem:s7], [sflag:s8] =	dma.local @!p0 [hbm:s6], $0xF7A  }
0x23: {  	s9 =	sor.u32 $0xD0000000, s2;
	s6 =	simm.s32 $0x108;
	_ =	swait.ge @!p0 [sflag:s8], $0x0  }
0x24: {  	s3 =	sadd.s32 $0x88, s3;
	s6 =	simm.s32 @!p1 $0x1082;
	[sflag:s4] =	ssyncset.s32 $0xFFFFF086  }
0x25: {  	[simem:s6], [sflag:s4] =	dma.local [hbm:s3], $0xF7A  }
0x26: {  	[smem:$0x3F9D] =	sst s1;
	(tag) =	ssettag s2;
	_ =	strace s9  }
0x27: {  	s1 =	sld [smem:$0x3FAD]  }
0x28: {  	s2 =	sld [smem:$0x3FAE]  }
0x29: {  	s4 =	sld [smem:$0x3FB0]  }
0x2a: {  	p0 =	seq.s32 s5, $0x0;
	s5 =	sld [smem:$0x3FB1]  }
0x2b: {  	s6 =	sld [smem:$0x3FB2]  }
0x2c: {  	s7 =	sld [smem:$0x3FB3]  }
0x2d: {  	s3 =	simm.s32 $0x108;
	s8 =	sld [smem:$0x3FB4]  }
0x2e: {  	s3 =	simm.s32 @!p0 $0x1082;
	s9 =	sld [smem:$0x3FB5]  }
0x2f: {  	lr =	sadd.s32 s0, s3;
	s0 =	sld [smem:$0x3FAC]  }
0x30: {  	s3 =	sld [smem:$0x3FAF]  }
0x31: {  	[smem:$0x3FB8] =	sst s10  }
0x32: {  	s10 =	sld [smem:$0x3FB6];
	_ =	sdelay $0x3  }
0x33: {  	p0 =	seq.s32 s10, $0x1;
	s10 =	sld [smem:$0x3FB8];
	_ =	sdelay $0x3  }
0x34: {  	[smem:$0x3FB8] =	sst s10  }
0x35: {  	s10 =	sld [smem:$0x3FB7];
	_ =	sdelay $0x3  }
0x36: {  	p1 =	seq.s32 s10, $0x1;
	s10 =	sld [smem:$0x3FB8];
	_ =	sdelay $0x3  }
0x37: {  	[smem:$0x3FB8] =	sst s10  }
0x38: {  	s10 =	sld [smem:$0x3FB9]  }
0x39: {  	_ = 	snop;
	(pc) =	sbr.ind lr, $3  }
0x3a: {  	_ = 	snop  }
0x3b: {  	_ = 	snop  }
0x3c: {  	p2 =	seq.s32 s10, $0x1;
	s10 =	sld [smem:$0x3FB8]  }
0x3d: {  	_ =	shalt  }
0x3e: {  	_ =	shalt  }
0x3f: {  	_ =	shalt  }
0x40: {  	_ =	shalt  }
0x41: {  	_ =	shalt  }
0x42: {  	_ =	shalt  }
0x43: {  	_ =	shalt  }
0x44: {  	_ =	shalt  }
0x45: {  	_ =	shalt  }
0x46: {  	_ =	shalt  }
0x47: {  	_ =	shalt  }
0x48: {  	_ =	shalt  }
0x49: {  	_ =	shalt  }
0x4a: {  	_ =	shalt  }
0x4b: {  	_ =	shalt  }
0x4c: {  	_ =	shalt  }
0x4d: {  	_ =	shalt  }
0x4e: {  	_ =	shalt  }
0x4f: {  	_ =	shalt  }
0x50: {  	_ =	shalt  }
0x51: {  	_ =	shalt  }
0x52: {  	_ =	shalt  }
0x53: {  	_ =	shalt  }
0x54: {  	_ =	shalt  }
0x55: {  	_ =	shalt  }
0x56: {  	_ =	shalt  }
0x57: {  	_ =	shalt  }
0x58: {  	_ =	shalt  }
0x59: {  	_ =	shalt  }
0x5a: {  	_ =	shalt  }
0x5b: {  	_ =	shalt  }
0x5c: {  	_ =	shalt  }
0x5d: {  	_ =	shalt  }
0x5e: {  	_ =	shalt  }
0x5f: {  	_ =	shalt  }
0x60: {  	_ =	shalt  }
0x61: {  	_ =	shalt  }
0x62: {  	_ =	shalt  }
0x63: {  	_ =	shalt  }
0x64: {  	_ =	shalt  }
0x65: {  	_ =	shalt  }
0x66: {  	_ =	shalt  }
0x67: {  	_ =	shalt  }
0x68: {  	_ =	shalt  }
0x69: {  	_ =	shalt  }
0x6a: {  	_ =	shalt  }
0x6b: {  	_ =	shalt  }
0x6c: {  	_ =	shalt  }
0x6d: {  	_ =	shalt  }
0x6e: {  	_ =	shalt  }
0x6f: {  	_ =	shalt  }
0x70: {  	_ =	shalt  }
0x71: {  	_ =	shalt  }
0x72: {  	_ =	shalt  }
0x73: {  	_ =	shalt  }
0x74: {  	_ =	shalt  }
0x75: {  	_ =	shalt  }
0x76: {  	_ =	shalt  }
0x77: {  	_ =	shalt  }
0x78: {  	_ =	shalt  }
0x79: {  	_ =	shalt  }
0x7a: {  	_ =	shalt  }
0x7b: {  	_ =	shalt  }
0x7c: {  	_ =	shalt  }
0x7d: {  	_ =	shalt  }
0x7e: {  	_ =	shalt  }
0x7f: {  	_ =	shalt  }
0x80: {  	_ =	shalt  }
0x81: {  	_ =	shalt  }
0x82: {  	_ =	shalt  }
0x83: {  	_ =	shalt  }
0x84: {  	_ =	shalt  }
0x85: {  	_ =	shalt  }
0x86: {  	_ =	shalt  }
0x87: {  	_ =	shalt  }
.Lfunc_end0:
.L_simem_size_0:
called_computation_lowered:
.L_overlay_start_0:
0x88: {  	s2 =	sld [smem:$0x3FD9]  }
0x89: {  	s3 =	sld [smem:$0x3FFE];
	_ =	sdelay $0x1  }
0x8a: {  	s1 =	srdreg.scid  }
0x8b: {  	s0 =	sand.u32 $0x1, s1  }
0x8c: {  	s16 =	sshll.u32 s0, $0xA;
	s2 =	sadd.s32 s3, s2  }
0x8d: {  	s2 =	sadd.s32 s2, s16  }
0x8e: {  	[smem:$0x3FC4] =	sst s2  }
0x8f: {  	_ = 	snop  }
0x90: {  	(tm) =	ssettm $0x1  }
0x91: {  	s17 =	sld [smem:$0x3FFB];
	_ =	sdelay $0x3  }
0x92: {  	_ =	strace s17  }
0x93: {  	s2 =	sld [smem:$0x3FFC];
	_ =	sdelay $0x3  }
0x94: {  	_ =	strace s2  }
0x95: {  	s2 =	sld [smem:$0x3FFD];
	_ =	sdelay $0x3  }
0x96: {  	_ =	strace s2  }
0x97: {  	_ =	strace $0x8FFFFFFF  }
0x98: {  	s18 =	sld [smem:$0x3FDB];
	_ =	sdelay $0x1  }
0x99: {  	s19 =	simm.s32 $_scs_section_size  }
0x9a: {  	s4 =	simm.s32 $_size__tile_overlayer_lowered;
	s5 =	simm.s32 $_tile_overlayer_lowered  }
0x9b: {  	s22 =	simm.s32 $0x1BFF;
	s21 =	sshll.u32 s5, $0x1;
	s2 =	sadd.s32 s19, s18  }
0x9c: {  	s6 =	simm.s32 $0x0;
	s20 =	sshll.u32 s4, $0x1;
	s4 =	sadd.s32 s21, s2  }
0x9d: {  	[timem:s6], [sflag:s22] =	dma.local [hbm:s4], s20  }
0x9e: {  	_ =	swait.ge [sflag:s22], s20  }
0x9f: {  	s3 =	ssub.s32 $0x0, s20;
	[sflag:s22] =	ssyncset.done $0x0  }
0xa0: {  	[sflag:s22] =	ssyncadd.s32 s3;
	_ =	sdelay $0x1  }
0xa1: {  	s23 =	simm.s32 $0x1B8B  }
0xa2: {  	_ =	swait.ge [sflag:s23], $0x1  }
0xa3: {  	[sflag:s23] =	ssyncset.done $0x0  }
0xa4: {  	s25 =	simm.s32 $0x1B8E;
	s24 =	sld [smem:$0x3FFE];
	[sflag:s23] =	ssyncadd.s32 $0xFFFFFFFF  }
0xa5: {  	s26 =	simm.s32 $execute0_lowered;
	[smem:$0x3FD2] =	sst s25  }
0xa6: {  	s4 =	sshll.u32 s26, $0x1;
	_ =	strace $0x80000046;
	[dreg:$0x1] =	wrdreg $0xFFFFFFFF  }
0xa7: {  	s28 =	simm.s32 $_size_execute0_lowered;
	s2 =	sadd.s32 s2, s4;
	[dreg:$0x0] =	wrdreg $0x0  }
0xa8: {  	s4 =	sshll.u32 s28, $0x1;
	[dreg:$0x2] =	wrdreg s2  }
0xa9: {  	[dreg:$0x3] =	wrdreg s4  }
0xaa: {  	[dreg:$0x4] =	wrdreg $0xC0  }
0xab: {  	_ =	task [dreg:s6], $0x5FFFF  }
0xac: {  	[dreg:$0x1] =	wrdreg $0xFFFFFFFF  }
0xad: {  	[dreg:$0x0] =	wrdreg $0x60  }
0xae: {  	[dreg:$0x2] =	wrdreg s24  }
0xaf: {  	[dreg:$0x3] =	wrdreg $0x9  }
0xb0: {  	_ =	task.clear_ibuf [dreg:s6], $0x4FFFF;
	_ =	strace $0x90000046  }
0xb1: {  	s29 =	simm.s32 $0x9;
	_ =	strace $0x80000048  }
0xb2: {  	_ =	swait.ge [sflag:s29], $0x1  }
0xb3: {  	[sflag:s29] =	ssyncadd.s32 $0xFFFFFFFF  }
0xb4: {  	_ =	strace $0x90000048  }
0xb5: {  	_ =	sfence  }
0xb6: {  	s30 =	sld [smem:$0x0];
	_ =	sdelay $0x2  }
0xb7: {  	s31 =	sshll.u32 s1, $0xD;
	s1 =	sshrl.u32 s1, $0x2  }
0xb8: {  	s3 =	sand.u32 $0x4000, s31;
	s1 =	sadd.s32 s1, s30  }
0xb9: {  	s0 =	sor.u32 s3, s0;
	s1 =	sshll.u32 s1, $0x11  }
0xba: {  	s0 =	sor.u32 s1, s0  }
0xbb: {  	s0 =	sadd.s32 $0x8F2B, s0  }
0xbc: {  	[sflag:s0] =	ssyncadd.remote.s32 $0x1  }
0xbd: {  	_ =	sfence.sel $0xFFFF  }
0xbe: {  	[dreg:$0x0] =	wrdreg $0xFFFFFFFF;
	(pc) =	sbr.abs _section_cstart, $3  }
0xbf: {  	[dreg:$0x1] =	wrdreg $0xFFFFFFFF  }
0xc0: {  	_ =	task.clear_ibuf [dreg:s6], $0x2FFFF;
	_ =	strace $0x9FFFFFFF  }
0xc1: {  	(tm) =	ssettm $0x7FFFFFFF  }
tec
execute0_lowered:
.L_overlay_start_1:
0x0: {  	(tag) =	ssettag $0x1  }
0x1: {  	s1 =	srdreg.scid;
	s0 =	stileid.u32  }
0x2: {  	s10 =	sand.u32 $0x1, s1;
	s31 =	sshll.u32 s0, $0x1  }
0x3: {  	s1 =	sor.u32 s10, s31  }
0x4: {  	s7 =	rddreg [dreg:$0x0];
	s2 =	simm.s32 $0x0;
	s3 =	smul.u32 $0xC0, s1  }
0x5: {  	[smem:$0x7FF] =	sst s2  }
0x6: {  	s1 =	rddreg [dreg:$0x1];
	s11 =	sadd.s32 s3, s7  }
0x7: {  	_ =	strace $0x80000047;
	s3 =	simm.s32 $0x2;
	s4 =	sadd.s32 $0x3E200, s11  }
0x8: {  	[tilespmem:s2], [sflag:$0x2] =	stream.linear.gather [hbm4b:s4+s2], $0x600, $0x38;
	[tilespmem:$0x1200] =	vst v63  }
0x9: {  	_ =	swait.ge [sflag:s3], $0x600  }
0xa: {  	[sflag:s3] =	ssyncset.done $0x0  }
0xb: {  	s6 =	simm.s32 $0x600;
	s5 =	sadd.s32 $0x1000, s7;
	[sflag:s3] =	ssyncadd.s32 $0xFFFFFA00  }
0xc: {  	[tilespmem:s6], [sflag:$0x1] =	stream.indirect.gather [hbm4b:s5+s6], $0x1, s2, s6, $0xb8;
	[tilespmem:$0x1200] =	vst v63  }
0xd: {  	s8 =	simm.s32 $0xC00;
	s9 =	simm.s32 $0x1;
	s7 =	sadd.s32 $0x1F848, s7  }
0xe: {  	[tilespmem:s8], [sflag:$0x1] =	stream.indirect.gather [hbm4b:s7+s6], $0x1, s2, s6, $0xb8;
	[tilespmem:$0x1200] =	vst v63  }
0xf: {  	_ =	swait.ge [sflag:s9], $0x600  }
0x10: {  	[sflag:s9] =	ssyncset.done $0x0  }
0x11: {  	s12 =	ssub.s32 $0x2, s10;
	[sflag:s9] =	ssyncadd.s32 $0xFFFFFA00  }
0x12: {  	s13 =	sshrl.u32 s12, $0x1;
	_ =	swait.ge [sflag:s9], $0x600  }
0x13: {  	s12 =	ssub.s32 s12, s13;
	[sflag:s9] =	ssyncset.done $0x0  }
0x14: {  	s12 =	smax.u32 s12, $0x1;
	s10 =	sadd.s32 $0x3FA00, s11;
	[sflag:s9] =	ssyncadd.s32 $0xFFFFFA00  }
0x15: {  	[hbm4b:s10+s2] =	stream.linear.scatter [tilespmem:s6], [sflag:$0x2], $0x600, $0x38;
	[tilespmem:$0x1200] =	vst v63  }
0x16: {  	p0 =	sne.s32 s12, $0x1;
	_ =	swait.ge [sflag:s3], $0x600  }
.Ltmp0:
0x17: {  	[sflag:s3] =	ssyncset.done $0x0;
	(pc) =	sbr.rel @!p0 .LBB2_2-.Ltmp0, $4  }
0x18: {  	s11 =	sadd.s32 $0x41200, s11;
	[sflag:s3] =	ssyncadd.s32 $0xFFFFFA00  }
0x19: {  	[hbm4b:s11+s2] =	stream.linear.scatter [tilespmem:s8], [sflag:$0x2], $0x600, $0x38;
	[tilespmem:$0x1200] =	vst v63  }
0x1a: {  	_ =	swait.ge [sflag:s3], $0x600  }
0x1b: {  	s12 =	sadd.s32 $0xFFFFFFFF, s12;
	[sflag:s3] =	ssyncset.done $0x0  }
.LBB2_1:
0x1c: {  	p0 =	sne.s32 s12, $0x1;
	s12 =	sadd.s32 $0xFFFFFFFF, s12;
	[sflag:s3] =	ssyncadd.s32 $0xFFFFFA00  }
0x1d: {  	[tilespmem:s2], [sflag:$0x2] =	stream.linear.gather [hbm4b:s4+s2], $0x600, $0x38;
	[tilespmem:$0x1200] =	vst v63  }
0x1e: {  	_ =	swait.ge [sflag:s3], $0x600  }
0x1f: {  	[sflag:s3] =	ssyncset.done $0x0  }
0x20: {  	[sflag:s3] =	ssyncadd.s32 $0xFFFFFA00  }
0x21: {  	[tilespmem:s6], [sflag:$0x1] =	stream.indirect.gather [hbm4b:s5+s6], $0x1, s2, s6, $0xb8;
	[tilespmem:$0x1200] =	vst v63  }
0x22: {  	_ = 	snop  }
0x23: {  	[tilespmem:s8], [sflag:$0x1] =	stream.indirect.gather [hbm4b:s7+s6], $0x1, s2, s6, $0xb8;
	[tilespmem:$0x1200] =	vst v63  }
0x24: {  	_ =	swait.ge [sflag:s9], $0x600  }
0x25: {  	[sflag:s9] =	ssyncset.done $0x0  }
0x26: {  	[sflag:s9] =	ssyncadd.s32 $0xFFFFFA00  }
0x27: {  	_ =	swait.ge [sflag:s9], $0x600  }
0x28: {  	[sflag:s9] =	ssyncset.done $0x0  }
0x29: {  	[sflag:s9] =	ssyncadd.s32 $0xFFFFFA00  }
0x2a: {  	[hbm4b:s10+s2] =	stream.linear.scatter [tilespmem:s6], [sflag:$0x2], $0x600, $0x38;
	[tilespmem:$0x1200] =	vst v63  }
0x2b: {  	_ =	swait.ge [sflag:s3], $0x600  }
.Ltmp1:
0x2c: {  	[sflag:s3] =	ssyncset.done $0x0;
	(pc) =	sbr.rel @p0 .LBB2_1-.Ltmp1, $4  }
0x2d: {  	[sflag:s3] =	ssyncadd.s32 $0xFFFFFA00  }
0x2e: {  	[hbm4b:s11+s2] =	stream.linear.scatter [tilespmem:s8], [sflag:$0x2], $0x600, $0x38;
	[tilespmem:$0x1200] =	vst v63  }
0x2f: {  	_ =	swait.ge [sflag:s3], $0x600  }
0x30: {  	[sflag:s3] =	ssyncset.done $0x0  }
.LBB2_2:
0x31: {  	[sflag:s3] =	ssyncadd.s32 $0xFFFFFA00  }
0x32: {  	_ =	sfence.sel $0x180000  }
0x33: {  	[bflag:$0x0] =	sbarrier.arrive $0xFFFF  }
0x34: {  	p0 =	sne.s32 s0, $0x0;
	_ =	strace $0x90000047  }
0x35: {  	s0 =	sadd.s32 @!p0 $0x100000, s1;
	[bflag:$0x2] =	sbarrier.arrive $0xFFFF  }
0x36: {  	[sflag:s0] =	ssyncadd.tile.s32 @!p0 $0x1;
	_ =	shalt  }
.Lfunc_end2:
_tile_overlayer_lowered:
.L_overlay_start_2:
0x37: {  	(tag) =	ssettag $0x2  }
0x38: {  	s0 =	rddreg [dreg:$0x0];
	s2 =	stileid.u32  }
0x39: {  	s1 =	rddreg [dreg:$0x1];
	p0 =	sne.s32 s2, $0x0  }
0x3a: {  	s3 =	rddreg [dreg:$0x2];
	[bflag:$0x3] =	sbarrier.arrive $0xFFFF;
	s2 =	simm.s32 @!p0 $0x1C02  }
0x3b: {  	[timem:s3], [sflag:s2] =	dma.local @!p0 [hbm:s0], s1  }
0x3c: {  	s0 =	simm.s32 @!p0 $0x2  }
0x3d: {  	_ =	swait.ge @!p0 [sflag:s0], s1  }
0x3e: {  	s1 =	ssub.s32 @!p0 $0x0, s1;
	[sflag:s0] =	ssyncset.done @!p0 $0x0  }
0x3f: {  	[sflag:s0] =	ssyncadd.s32 @!p0 s1  }
0x40: {  	[bflag:$0x3] =	sbarrier.arrive $0xFFFF  }
0x41: {  	_ =	shalt  }

</sc_bundles>
